<compile_context>
chip_gen: v7x
topology: tpu7x:2x2x1
jax: 0.10.2.dev20260603
libtpu: 0.0.44.dev20260713+nightly
codegen_flags: <defaults>
</compile_context>

<pallas_src>
import functools

import jax
import jax.numpy as jnp
from jax import lax
from jax.experimental import pallas as pl
from jax.experimental.pallas import tpu as pltpu
from jax.experimental.pallas import tpu_sc as plsc

_B, _H, _S, _D = 8, 16, 4096, 128
_ROWS = _B * _H * _S
_TARGET_ROW = (1 * _H + 0) * _S + 1
_NC, _NS = 2, 16
_NW = _NC * _NS
_RPW = _ROWS // _NW
_TARGET_W = _TARGET_ROW // _RPW


def _body(key_hbm, cache_hbm, out_hbm, key_v, row_v):
    wid = lax.axis_index("s") * _NC + lax.axis_index("c")
    base = wid * _RPW
    pltpu.sync_copy(cache_hbm.at[pl.ds(base, _RPW)], out_hbm.at[pl.ds(base, _RPW)])

    @pl.when(wid == _TARGET_W)
    def _update():
        pltpu.sync_copy(key_hbm, key_v)
        pltpu.sync_copy(cache_hbm.at[pl.ds(_TARGET_ROW, 1)], row_v)
        for i in range(_D // 16):
            sl = pl.ds(i * 16, 16)
            row_v[0, sl] = row_v[0, sl] + 2.0 * key_v[sl]
        pltpu.sync_copy(row_v, out_hbm.at[pl.ds(_TARGET_ROW, 1)])


def kernel(key, cache_next):
    flat = cache_next.reshape(_ROWS, _D)
    mesh = plsc.VectorSubcoreMesh(core_axis_name="c", subcore_axis_name="s")
    run = functools.partial(
        pl.kernel,
        out_type=jax.ShapeDtypeStruct((_ROWS, _D), jnp.float32),
        mesh=mesh,
        scratch_types=[
            pltpu.VMEM((_D,), jnp.float32),
            pltpu.VMEM((1, _D), jnp.float32),
        ],
    )(_body)
    new_cache = run(key, flat).reshape(_B, _H, _S, _D)
    return key, new_cache

# --- scband reference (transcript-rebuilt; emitter-appended) ---
"""Pipeline reference for scband-cache-11879879541726 (READ-ONLY COPY).

The authoritative reference and input builder live on the scoring server;
editing this copy changes nothing except your own understanding.
"""

import jax, jax.numpy as jnp
import numpy as np


def setup_inputs() -> dict:
    root = jax.random.key(0)
    k1, k2 = jax.random.split(root)
    key_t = jax.random.normal(k1, (128,), dtype=jnp.float32)
    cache_next = jax.random.normal(k2, (8, 16, 4096, 128), dtype=jnp.float32)
    return {"key": key_t, "cache_next": cache_next}


def reference(key, cache_next):
    # torch: cache_next[1, 0, 1] = cache_next[1, 0, 1] + 2 * key ; return key
    # JAX functional equivalent: scatter-add into the cache slot and return
    # (key, updated_cache) since the in-place mutation is the module's effect.
    new_cache = cache_next.at[1, 0, 1].add(2.0 * key)
    return key, new_cache

if __name__ == "__main__":
    import jax
    _d = setup_inputs()
    print(jax.jit(kernel)(*tuple(_d.values())))

</pallas_src>

<mosaic_0001>
#map = affine_map<(d0, d1) -> (0)>
#map1 = affine_map<(d0, d1) -> (0, 0)>
module attributes {stable_mosaic.version = 14 : i64} {
  func.func @_body(%arg0: i32, %arg1: i32, %arg2: memref<128xf32, #tpu.memory_space<hbm>>, %arg3: memref<524288x128xf32, #tpu.memory_space<hbm>>, %arg4: memref<524288x128xf32, #tpu.memory_space<hbm>>, %arg5: memref<128xf32, #tpu.memory_space<vmem>>, %arg6: memref<1x128xf32, #tpu.memory_space<vmem>>) attributes {dimension_semantics = [#tpu.dimension_semantics<core_parallel>, #tpu.dimension_semantics<subcore_parallel>], iteration_bounds = array<i64: 2, 16>, scalar_prefetch = 0 : i64, scratch_operands = 2 : i64, tpu.core_type = #tpu.core_type<sc_vector_subcore>, window_params = [{transform_indices = #map}, {transform_indices = #map1}, {transform_indices = #map1}]} {
    %mul3A = arith.constant 2 : i32
    %mul3A_0 = arith.muli %arg1, %mul3A : i32
    %add3A = arith.addi %mul3A_0, %arg0 : i32
    %mul3A_1 = arith.constant 16384 : i32
    %mul3A_2 = arith.muli %add3A, %mul3A_1 : i32
    "tpu.region"() ({
      %run_scoped3A = tpu.sem_alloc : memref<!tpu.dma_semaphore, #tpu.memory_space<semaphore_mem>>
      %dma_start3A = arith.constant 0 : i32
      %dma_start3A_5 = tpu.memref_slice %arg4[%mul3A_2, %dma_start3A] : memref<524288x128xf32, #tpu.memory_space<hbm>> -> memref<16384x128xf32, #tpu.memory_space<hbm>>
      %dma_start3A_6 = arith.constant 0 : i32
      %dma_start3A_7 = tpu.memref_slice %arg3[%mul3A_2, %dma_start3A_6] : memref<524288x128xf32, #tpu.memory_space<hbm>> -> memref<16384x128xf32, #tpu.memory_space<hbm>>
      tpu.enqueue_dma source(%dma_start3A_7 : memref<16384x128xf32, #tpu.memory_space<hbm>>) target(%dma_start3A_5 : memref<16384x128xf32, #tpu.memory_space<hbm>>) target_semaphore(%run_scoped3A : memref<!tpu.dma_semaphore, #tpu.memory_space<semaphore_mem>>)
      %dma_wait3A = arith.constant 0 : i32
      %dma_wait3A_8 = tpu.memref_slice %arg4[%mul3A_2, %dma_wait3A] : memref<524288x128xf32, #tpu.memory_space<hbm>> -> memref<16384x128xf32, #tpu.memory_space<hbm>>
      %dma_wait3A_9 = arith.constant 0 : i32
      %dma_wait3A_10 = tpu.memref_slice %arg3[%mul3A_2, %dma_wait3A_9] : memref<524288x128xf32, #tpu.memory_space<hbm>> -> memref<16384x128xf32, #tpu.memory_space<hbm>>
      tpu.wait_dma2 semaphore(%run_scoped3A : memref<!tpu.dma_semaphore, #tpu.memory_space<semaphore_mem>>) src(%dma_wait3A_10 : memref<16384x128xf32, #tpu.memory_space<hbm>>) dst(%dma_wait3A_8 : memref<16384x128xf32, #tpu.memory_space<hbm>>)
      tpu.yield
    }) : () -> ()
    %eq3A = arith.constant 4 : i32
    %eq3A_3 = arith.cmpi eq, %add3A, %eq3A : i32
    %convert_element_type3A = arith.extui %eq3A_3 : i1 to i32
    %cond3A = arith.constant 0 : i32
    %cond3A_4 = arith.cmpi ne, %convert_element_type3A, %cond3A : i32
    scf.if %cond3A_4 {
      "tpu.region"() ({
        %run_scoped3A = tpu.sem_alloc : memref<!tpu.dma_semaphore, #tpu.memory_space<semaphore_mem>>
        tpu.enqueue_dma source(%arg2 : memref<128xf32, #tpu.memory_space<hbm>>) target(%arg5 : memref<128xf32, #tpu.memory_space<vmem>>) target_semaphore(%run_scoped3A : memref<!tpu.dma_semaphore, #tpu.memory_space<semaphore_mem>>)
        tpu.wait_dma2 semaphore(%run_scoped3A : memref<!tpu.dma_semaphore, #tpu.memory_space<semaphore_mem>>) src(%arg2 : memref<128xf32, #tpu.memory_space<hbm>>) dst(%arg5 : memref<128xf32, #tpu.memory_space<vmem>>)
        tpu.yield
      }) : () -> ()
      "tpu.region"() ({
        %run_scoped3A = tpu.sem_alloc : memref<!tpu.dma_semaphore, #tpu.memory_space<semaphore_mem>>
        %dma_start3A = arith.constant 65537 : i32
        %dma_start3A_147 = arith.constant 0 : i32
        %dma_start3A_148 = tpu.memref_slice %arg3[%dma_start3A, %dma_start3A_147] : memref<524288x128xf32, #tpu.memory_space<hbm>> -> memref<1x128xf32, #tpu.memory_space<hbm>>
        %dma_start3A_149 = arith.constant 65537 : i32
        %dma_start3A_150 = arith.constant 0 : i32
        %dma_start3A_151 = tpu.memref_slice %arg3[%dma_start3A_149, %dma_start3A_150] : memref<524288x128xf32, #tpu.memory_space<hbm>> -> memref<1x128xf32, #tpu.memory_space<hbm>>
        tpu.enqueue_dma source(%dma_start3A_151 : memref<1x128xf32, #tpu.memory_space<hbm>>) target(%arg6 : memref<1x128xf32, #tpu.memory_space<vmem>>) target_semaphore(%run_scoped3A : memref<!tpu.dma_semaphore, #tpu.memory_space<semaphore_mem>>)
        %dma_wait3A = arith.constant 65537 : i32
        %dma_wait3A_152 = arith.constant 0 : i32
        %dma_wait3A_153 = tpu.memref_slice %arg3[%dma_wait3A, %dma_wait3A_152] : memref<524288x128xf32, #tpu.memory_space<hbm>> -> memref<1x128xf32, #tpu.memory_space<hbm>>
        %dma_wait3A_154 = arith.constant 65537 : i32
        %dma_wait3A_155 = arith.constant 0 : i32
        %dma_wait3A_156 = tpu.memref_slice %arg3[%dma_wait3A_154, %dma_wait3A_155] : memref<524288x128xf32, #tpu.memory_space<hbm>> -> memref<1x128xf32, #tpu.memory_space<hbm>>
        tpu.wait_dma2 semaphore(%run_scoped3A : memref<!tpu.dma_semaphore, #tpu.memory_space<semaphore_mem>>) src(%dma_wait3A_156 : memref<1x128xf32, #tpu.memory_space<hbm>>) dst(%arg6 : memref<1x128xf32, #tpu.memory_space<vmem>>)
        tpu.yield
      }) : () -> ()
      %get3A = arith.constant 0 : i32
      %get3A_5 = arith.index_cast %get3A : i32 to index
      %get3A_6 = arith.constant 0 : index
      %get3A_7 = tpu.vector_load %arg6[%get3A_5, %get3A_6] {strides = array<i32>} : memref<1x128xf32, #tpu.memory_space<vmem>>, vector<1x16xf32>,
      %get3A_8 = vector.shape_cast %get3A_7 : vector<1x16xf32> to vector<16xf32>
      %get3A_9 = arith.constant 0 : index
      %get3A_10 = tpu.vector_load %arg5[%get3A_9] {strides = array<i32>} : memref<128xf32, #tpu.memory_space<vmem>>, vector<16xf32>,
      %get3A_11 = vector.shape_cast %get3A_10 : vector<16xf32> to vector<16xf32>
      %mul3A_12 = arith.constant 2.000000e+00 : f32
      %mul3A_13 = vector.broadcast %mul3A_12 : f32 to vector<16xf32>
      %mul3A_14 = arith.mulf %mul3A_13, %get3A_11 : vector<16xf32>
      %add3A_15 = arith.addf %get3A_8, %mul3A_14 : vector<16xf32>
      %swap3A = arith.constant 0 : i32
      %swap3A_16 = arith.index_cast %swap3A : i32 to index
      %swap3A_17 = arith.constant 0 : index
      %swap3A_18 = tpu.vector_load %arg6[%swap3A_16, %swap3A_17] {strides = array<i32>} : memref<1x128xf32, #tpu.memory_space<vmem>>, vector<1x16xf32>,
      %swap3A_19 = vector.shape_cast %swap3A_18 : vector<1x16xf32> to vector<16xf32>
      %swap3A_20 = vector.shape_cast %add3A_15 : vector<16xf32> to vector<1x16xf32>
      tpu.vector_store %arg6[%swap3A_16, %swap3A_17], %swap3A_20 {strides = array<i32>} : memref<1x128xf32, #tpu.memory_space<vmem>>, vector<1x16xf32>,
      %get3A_21 = arith.constant 0 : i32
      %get3A_22 = arith.index_cast %get3A_21 : i32 to index
      %get3A_23 = arith.constant 16 : index
      %get3A_24 = tpu.vector_load %arg6[%get3A_22, %get3A_23] {strides = array<i32>} : memref<1x128xf32, #tpu.memory_space<vmem>>, vector<1x16xf32>,
      %get3A_25 = vector.shape_cast %get3A_24 : vector<1x16xf32> to vector<16xf32>
      %get3A_26 = arith.constant 16 : index
      %get3A_27 = tpu.vector_load %arg5[%get3A_26] {strides = array<i32>} : memref<128xf32, #tpu.memory_space<vmem>>, vector<16xf32>,
      %get3A_28 = vector.shape_cast %get3A_27 : vector<16xf32> to vector<16xf32>
      %mul3A_29 = arith.constant 2.000000e+00 : f32
      %mul3A_30 = vector.broadcast %mul3A_29 : f32 to vector<16xf32>
      %mul3A_31 = arith.mulf %mul3A_30, %get3A_28 : vector<16xf32>
      %add3A_32 = arith.addf %get3A_25, %mul3A_31 : vector<16xf32>
      %swap3A_33 = arith.constant 0 : i32
      %swap3A_34 = arith.index_cast %swap3A_33 : i32 to index
      %swap3A_35 = arith.constant 16 : index
      %swap3A_36 = tpu.vector_load %arg6[%swap3A_34, %swap3A_35] {strides = array<i32>} : memref<1x128xf32, #tpu.memory_space<vmem>>, vector<1x16xf32>,
      %swap3A_37 = vector.shape_cast %swap3A_36 : vector<1x16xf32> to vector<16xf32>
      %swap3A_38 = vector.shape_cast %add3A_32 : vector<16xf32> to vector<1x16xf32>
      tpu.vector_store %arg6[%swap3A_34, %swap3A_35], %swap3A_38 {strides = array<i32>} : memref<1x128xf32, #tpu.memory_space<vmem>>, vector<1x16xf32>,
      %get3A_39 = arith.constant 0 : i32
      %get3A_40 = arith.index_cast %get3A_39 : i32 to index
      %get3A_41 = arith.constant 32 : index
      %get3A_42 = tpu.vector_load %arg6[%get3A_40, %get3A_41] {strides = array<i32>} : memref<1x128xf32, #tpu.memory_space<vmem>>, vector<1x16xf32>,
      %get3A_43 = vector.shape_cast %get3A_42 : vector<1x16xf32> to vector<16xf32>
      %get3A_44 = arith.constant 32 : index
      %get3A_45 = tpu.vector_load %arg5[%get3A_44] {strides = array<i32>} : memref<128xf32, #tpu.memory_space<vmem>>, vector<16xf32>,
      %get3A_46 = vector.shape_cast %get3A_45 : vector<16xf32> to vector<16xf32>
      %mul3A_47 = arith.constant 2.000000e+00 : f32
      %mul3A_48 = vector.broadcast %mul3A_47 : f32 to vector<16xf32>
      %mul3A_49 = arith.mulf %mul3A_48, %get3A_46 : vector<16xf32>
      %add3A_50 = arith.addf %get3A_43, %mul3A_49 : vector<16xf32>
      %swap3A_51 = arith.constant 0 : i32
      %swap3A_52 = arith.index_cast %swap3A_51 : i32 to index
      %swap3A_53 = arith.constant 32 : index
      %swap3A_54 = tpu.vector_load %arg6[%swap3A_52, %swap3A_53] {strides = array<i32>} : memref<1x128xf32, #tpu.memory_space<vmem>>, vector<1x16xf32>,
      %swap3A_55 = vector.shape_cast %swap3A_54 : vector<1x16xf32> to vector<16xf32>
      %swap3A_56 = vector.shape_cast %add3A_50 : vector<16xf32> to vector<1x16xf32>
      tpu.vector_store %arg6[%swap3A_52, %swap3A_53], %swap3A_56 {strides = array<i32>} : memref<1x128xf32, #tpu.memory_space<vmem>>, vector<1x16xf32>,
      %get3A_57 = arith.constant 0 : i32
      %get3A_58 = arith.index_cast %get3A_57 : i32 to index
      %get3A_59 = arith.constant 48 : index
      %get3A_60 = tpu.vector_load %arg6[%get3A_58, %get3A_59] {strides = array<i32>} : memref<1x128xf32, #tpu.memory_space<vmem>>, vector<1x16xf32>,
      %get3A_61 = vector.shape_cast %get3A_60 : vector<1x16xf32> to vector<16xf32>
      %get3A_62 = arith.constant 48 : index
      %get3A_63 = tpu.vector_load %arg5[%get3A_62] {strides = array<i32>} : memref<128xf32, #tpu.memory_space<vmem>>, vector<16xf32>,
      %get3A_64 = vector.shape_cast %get3A_63 : vector<16xf32> to vector<16xf32>
      %mul3A_65 = arith.constant 2.000000e+00 : f32
      %mul3A_66 = vector.broadcast %mul3A_65 : f32 to vector<16xf32>
      %mul3A_67 = arith.mulf %mul3A_66, %get3A_64 : vector<16xf32>
      %add3A_68 = arith.addf %get3A_61, %mul3A_67 : vector<16xf32>
      %swap3A_69 = arith.constant 0 : i32
      %swap3A_70 = arith.index_cast %swap3A_69 : i32 to index
      %swap3A_71 = arith.constant 48 : index
      %swap3A_72 = tpu.vector_load %arg6[%swap3A_70, %swap3A_71] {strides = array<i32>} : memref<1x128xf32, #tpu.memory_space<vmem>>, vector<1x16xf32>,
      %swap3A_73 = vector.shape_cast %swap3A_72 : vector<1x16xf32> to vector<16xf32>
      %swap3A_74 = vector.shape_cast %add3A_68 : vector<16xf32> to vector<1x16xf32>
      tpu.vector_store %arg6[%swap3A_70, %swap3A_71], %swap3A_74 {strides = array<i32>} : memref<1x128xf32, #tpu.memory_space<vmem>>, vector<1x16xf32>,
      %get3A_75 = arith.constant 0 : i32
      %get3A_76 = arith.index_cast %get3A_75 : i32 to index
      %get3A_77 = arith.constant 64 : index
      %get3A_78 = tpu.vector_load %arg6[%get3A_76, %get3A_77] {strides = array<i32>} : memref<1x128xf32, #tpu.memory_space<vmem>>, vector<1x16xf32>,
      %get3A_79 = vector.shape_cast %get3A_78 : vector<1x16xf32> to vector<16xf32>
      %get3A_80 = arith.constant 64 : index
      %get3A_81 = tpu.vector_load %arg5[%get3A_80] {strides = array<i32>} : memref<128xf32, #tpu.memory_space<vmem>>, vector<16xf32>,
      %get3A_82 = vector.shape_cast %get3A_81 : vector<16xf32> to vector<16xf32>
      %mul3A_83 = arith.constant 2.000000e+00 : f32
      %mul3A_84 = vector.broadcast %mul3A_83 : f32 to vector<16xf32>
      %mul3A_85 = arith.mulf %mul3A_84, %get3A_82 : vector<16xf32>
      %add3A_86 = arith.addf %get3A_79, %mul3A_85 : vector<16xf32>
      %swap3A_87 = arith.constant 0 : i32
      %swap3A_88 = arith.index_cast %swap3A_87 : i32 to index
      %swap3A_89 = arith.constant 64 : index
      %swap3A_90 = tpu.vector_load %arg6[%swap3A_88, %swap3A_89] {strides = array<i32>} : memref<1x128xf32, #tpu.memory_space<vmem>>, vector<1x16xf32>,
      %swap3A_91 = vector.shape_cast %swap3A_90 : vector<1x16xf32> to vector<16xf32>
      %swap3A_92 = vector.shape_cast %add3A_86 : vector<16xf32> to vector<1x16xf32>
      tpu.vector_store %arg6[%swap3A_88, %swap3A_89], %swap3A_92 {strides = array<i32>} : memref<1x128xf32, #tpu.memory_space<vmem>>, vector<1x16xf32>,
      %get3A_93 = arith.constant 0 : i32
      %get3A_94 = arith.index_cast %get3A_93 : i32 to index
      %get3A_95 = arith.constant 80 : index
      %get3A_96 = tpu.vector_load %arg6[%get3A_94, %get3A_95] {strides = array<i32>} : memref<1x128xf32, #tpu.memory_space<vmem>>, vector<1x16xf32>,
      %get3A_97 = vector.shape_cast %get3A_96 : vector<1x16xf32> to vector<16xf32>
      %get3A_98 = arith.constant 80 : index
      %get3A_99 = tpu.vector_load %arg5[%get3A_98] {strides = array<i32>} : memref<128xf32, #tpu.memory_space<vmem>>, vector<16xf32>,
      %get3A_100 = vector.shape_cast %get3A_99 : vector<16xf32> to vector<16xf32>
      %mul3A_101 = arith.constant 2.000000e+00 : f32
      %mul3A_102 = vector.broadcast %mul3A_101 : f32 to vector<16xf32>
      %mul3A_103 = arith.mulf %mul3A_102, %get3A_100 : vector<16xf32>
      %add3A_104 = arith.addf %get3A_97, %mul3A_103 : vector<16xf32>
      %swap3A_105 = arith.constant 0 : i32
      %swap3A_106 = arith.index_cast %swap3A_105 : i32 to index
      %swap3A_107 = arith.constant 80 : index
      %swap3A_108 = tpu.vector_load %arg6[%swap3A_106, %swap3A_107] {strides = array<i32>} : memref<1x128xf32, #tpu.memory_space<vmem>>, vector<1x16xf32>,
      %swap3A_109 = vector.shape_cast %swap3A_108 : vector<1x16xf32> to vector<16xf32>
      %swap3A_110 = vector.shape_cast %add3A_104 : vector<16xf32> to vector<1x16xf32>
      tpu.vector_store %arg6[%swap3A_106, %swap3A_107], %swap3A_110 {strides = array<i32>} : memref<1x128xf32, #tpu.memory_space<vmem>>, vector<1x16xf32>,
      %get3A_111 = arith.constant 0 : i32
      %get3A_112 = arith.index_cast %get3A_111 : i32 to index
      %get3A_113 = arith.constant 96 : index
      %get3A_114 = tpu.vector_load %arg6[%get3A_112, %get3A_113] {strides = array<i32>} : memref<1x128xf32, #tpu.memory_space<vmem>>, vector<1x16xf32>,
      %get3A_115 = vector.shape_cast %get3A_114 : vector<1x16xf32> to vector<16xf32>
      %get3A_116 = arith.constant 96 : index
      %get3A_117 = tpu.vector_load %arg5[%get3A_116] {strides = array<i32>} : memref<128xf32, #tpu.memory_space<vmem>>, vector<16xf32>,
      %get3A_118 = vector.shape_cast %get3A_117 : vector<16xf32> to vector<16xf32>
      %mul3A_119 = arith.constant 2.000000e+00 : f32
      %mul3A_120 = vector.broadcast %mul3A_119 : f32 to vector<16xf32>
      %mul3A_121 = arith.mulf %mul3A_120, %get3A_118 : vector<16xf32>
      %add3A_122 = arith.addf %get3A_115, %mul3A_121 : vector<16xf32>
      %swap3A_123 = arith.constant 0 : i32
      %swap3A_124 = arith.index_cast %swap3A_123 : i32 to index
      %swap3A_125 = arith.constant 96 : index
      %swap3A_126 = tpu.vector_load %arg6[%swap3A_124, %swap3A_125] {strides = array<i32>} : memref<1x128xf32, #tpu.memory_space<vmem>>, vector<1x16xf32>,
      %swap3A_127 = vector.shape_cast %swap3A_126 : vector<1x16xf32> to vector<16xf32>
      %swap3A_128 = vector.shape_cast %add3A_122 : vector<16xf32> to vector<1x16xf32>
      tpu.vector_store %arg6[%swap3A_124, %swap3A_125], %swap3A_128 {strides = array<i32>} : memref<1x128xf32, #tpu.memory_space<vmem>>, vector<1x16xf32>,
      %get3A_129 = arith.constant 0 : i32
      %get3A_130 = arith.index_cast %get3A_129 : i32 to index
      %get3A_131 = arith.constant 112 : index
      %get3A_132 = tpu.vector_load %arg6[%get3A_130, %get3A_131] {strides = array<i32>} : memref<1x128xf32, #tpu.memory_space<vmem>>, vector<1x16xf32>,
      %get3A_133 = vector.shape_cast %get3A_132 : vector<1x16xf32> to vector<16xf32>
      %get3A_134 = arith.constant 112 : index
      %get3A_135 = tpu.vector_load %arg5[%get3A_134] {strides = array<i32>} : memref<128xf32, #tpu.memory_space<vmem>>, vector<16xf32>,
      %get3A_136 = vector.shape_cast %get3A_135 : vector<16xf32> to vector<16xf32>
      %mul3A_137 = arith.constant 2.000000e+00 : f32
      %mul3A_138 = vector.broadcast %mul3A_137 : f32 to vector<16xf32>
      %mul3A_139 = arith.mulf %mul3A_138, %get3A_136 : vector<16xf32>
      %add3A_140 = arith.addf %get3A_133, %mul3A_139 : vector<16xf32>
      %swap3A_141 = arith.constant 0 : i32
      %swap3A_142 = arith.index_cast %swap3A_141 : i32 to index
      %swap3A_143 = arith.constant 112 : index
      %swap3A_144 = tpu.vector_load %arg6[%swap3A_142, %swap3A_143] {strides = array<i32>} : memref<1x128xf32, #tpu.memory_space<vmem>>, vector<1x16xf32>,
      %swap3A_145 = vector.shape_cast %swap3A_144 : vector<1x16xf32> to vector<16xf32>
      %swap3A_146 = vector.shape_cast %add3A_140 : vector<16xf32> to vector<1x16xf32>
      tpu.vector_store %arg6[%swap3A_142, %swap3A_143], %swap3A_146 {strides = array<i32>} : memref<1x128xf32, #tpu.memory_space<vmem>>, vector<1x16xf32>,
      "tpu.region"() ({
        %run_scoped3A = tpu.sem_alloc : memref<!tpu.dma_semaphore, #tpu.memory_space<semaphore_mem>>
        %dma_start3A = arith.constant 65537 : i32
        %dma_start3A_147 = arith.constant 0 : i32
        %dma_start3A_148 = tpu.memref_slice %arg4[%dma_start3A, %dma_start3A_147] : memref<524288x128xf32, #tpu.memory_space<hbm>> -> memref<1x128xf32, #tpu.memory_space<hbm>>
        %dma_start3A_149 = arith.constant 65537 : i32
        %dma_start3A_150 = arith.constant 0 : i32
        %dma_start3A_151 = tpu.memref_slice %arg4[%dma_start3A_149, %dma_start3A_150] : memref<524288x128xf32, #tpu.memory_space<hbm>> -> memref<1x128xf32, #tpu.memory_space<hbm>>
        tpu.enqueue_dma source(%arg6 : memref<1x128xf32, #tpu.memory_space<vmem>>) target(%dma_start3A_151 : memref<1x128xf32, #tpu.memory_space<hbm>>) target_semaphore(%run_scoped3A : memref<!tpu.dma_semaphore, #tpu.memory_space<semaphore_mem>>)
        %dma_wait3A = arith.constant 65537 : i32
        %dma_wait3A_152 = arith.constant 0 : i32
        %dma_wait3A_153 = tpu.memref_slice %arg4[%dma_wait3A, %dma_wait3A_152] : memref<524288x128xf32, #tpu.memory_space<hbm>> -> memref<1x128xf32, #tpu.memory_space<hbm>>
        %dma_wait3A_154 = arith.constant 65537 : i32
        %dma_wait3A_155 = arith.constant 0 : i32
        %dma_wait3A_156 = tpu.memref_slice %arg4[%dma_wait3A_154, %dma_wait3A_155] : memref<524288x128xf32, #tpu.memory_space<hbm>> -> memref<1x128xf32, #tpu.memory_space<hbm>>
        tpu.wait_dma2 semaphore(%run_scoped3A : memref<!tpu.dma_semaphore, #tpu.memory_space<semaphore_mem>>) src(%arg6 : memref<1x128xf32, #tpu.memory_space<vmem>>) dst(%dma_wait3A_156 : memref<1x128xf32, #tpu.memory_space<hbm>>)
        tpu.yield
      }) : () -> ()
    } else {
    }
    return
  }
}

</mosaic_0001>

<sc_bundles>
// kernel: kernel.3.cloned.1.call-start
scs
__scs_entry_jumppad:
0x0: {  	(pc) =	sbr.rel $0x88, $3  }
0x1: {  	(tag) =	ssettag $0x0;
	lr =	simm.s32 $0x1  }
0x2: {  	[smem:$0x3F9F] =	sst lr;
	_ =	strace $0xD0000000  }
0x3: {  	_ = 	snop  }
0x4: {  	_ = 	snop  }
0x5: {  	_ = 	snop  }
0x6: {  	_ = 	snop  }
0x7: {  	_ = 	snop  }
__scs_overlays_trampoline_lowered:
0x8: {  	[smem:$0x3FAE] =	sst s0  }
0x9: {  	[smem:$0x3FAF] =	sst s1  }
0xa: {  	[smem:$0x3FB0] =	sst s2  }
0xb: {  	[smem:$0x3FB1] =	sst s3  }
0xc: {  	[smem:$0x3FB2] =	sst s4  }
0xd: {  	[smem:$0x3FB3] =	sst s5  }
0xe: {  	[smem:$0x3FB4] =	sst s6  }
0xf: {  	[smem:$0x3FB5] =	sst s7  }
0x10: {  	[smem:$0x3FB6] =	sst s8  }
0x11: {  	[smem:$0x3FB7] =	sst s9;
	s0 =	simm.s32 @!p0 $0x0  }
0x12: {  	s1 =	sld [smem:$0x3F9D];
	s0 =	simm.s32 @p0 $0x1  }
0x13: {  	[smem:$0x3FB8] =	sst s0;
	s0 =	simm.s32 @!p1 $0x0  }
0x14: {  	s2 =	sld [smem:$0x3F9C];
	s0 =	simm.s32 @p1 $0x1  }
0x15: {  	[smem:$0x3FB9] =	sst s0;
	s0 =	simm.s32 @!p2 $0x0  }
0x16: {  	s3 =	sld [smem:$0x3FDB];
	s0 =	simm.s32 @p2 $0x1  }
0x17: {  	s4 =	simm.s32 $0x1BF5;
	[smem:$0x3FBB] =	sst s0  }
0x18: {  	s0 =	sld [smem:$0x3F9E];
	_ =	swait.ge [sflag:s4], $0x0  }
0x19: {  	s7 =	sld [smem:$0x3F9F]  }
0x1a: {  	s8 =	sadd.s32 $0xFFFFE003, lr  }
0x1b: {  	s9 =	sadd.s32 $0xFFFFFEF7, lr;
	s5 =	simm.s32 $0xFFFFFFFF;
	p2 =	slt.u32 s8, $0xFFFFF086  }
0x1c: {  	p1 =	slt.u32 s9, $0xF7A;
	s5 =	simm.s32 @!p2 $0x0  }
0x1d: {  	s5 =	simm.s32 @p1 $0x1;
	p0 =	seq.s32 s7, s2  }
0x1e: {  	s7 =	smul.u32 @!p0 $0xF7A, s2;
	p2 =	seq.s32 @!p0 s5, $0x0  }
0x1f: {  	s9 =	smul.u32 $0xF7A, s1;
	s8 =	simm.s32 @!p0 $0x1BF5;
	p2 =	por !p2, p0  }
0x20: {  	[sflag:s8] =	ssyncset.s32 @!p0 $0xFFFFF086;
	s6 =	sadd.s32 @!p0 s3, s7;
	s7 =	simm.s32 @!p0 $0x108  }
0x21: {  	s3 =	sadd.s32 s3, s9;
	s6 =	sadd.s32 @!p0 $0x88, s6;
	s7 =	simm.s32 @p2 $0x1082  }
0x22: {  	[simem:s7], [sflag:s8] =	dma.local @!p0 [hbm:s6], $0xF7A  }
0x23: {  	s9 =	sor.u32 $0xD0000000, s2;
	s6 =	simm.s32 $0x108;
	_ =	swait.ge @!p0 [sflag:s8], $0x0  }
0x24: {  	s3 =	sadd.s32 $0x88, s3;
	s6 =	simm.s32 @!p1 $0x1082;
	[sflag:s4] =	ssyncset.s32 $0xFFFFF086  }
0x25: {  	[simem:s6], [sflag:s4] =	dma.local [hbm:s3], $0xF7A  }
0x26: {  	[smem:$0x3F9F] =	sst s1;
	(tag) =	ssettag s2;
	_ =	strace s9  }
0x27: {  	s1 =	sld [smem:$0x3FAF]  }
0x28: {  	s2 =	sld [smem:$0x3FB0]  }
0x29: {  	s4 =	sld [smem:$0x3FB2]  }
0x2a: {  	p0 =	seq.s32 s5, $0x0;
	s5 =	sld [smem:$0x3FB3]  }
0x2b: {  	s6 =	sld [smem:$0x3FB4]  }
0x2c: {  	s7 =	sld [smem:$0x3FB5]  }
0x2d: {  	s3 =	simm.s32 $0x108;
	s8 =	sld [smem:$0x3FB6]  }
0x2e: {  	s3 =	simm.s32 @!p0 $0x1082;
	s9 =	sld [smem:$0x3FB7]  }
0x2f: {  	lr =	sadd.s32 s0, s3;
	s0 =	sld [smem:$0x3FAE]  }
0x30: {  	s3 =	sld [smem:$0x3FB1]  }
0x31: {  	[smem:$0x3FBA] =	sst s10  }
0x32: {  	s10 =	sld [smem:$0x3FB8];
	_ =	sdelay $0x3  }
0x33: {  	p0 =	seq.s32 s10, $0x1;
	s10 =	sld [smem:$0x3FBA];
	_ =	sdelay $0x3  }
0x34: {  	[smem:$0x3FBA] =	sst s10  }
0x35: {  	s10 =	sld [smem:$0x3FB9];
	_ =	sdelay $0x3  }
0x36: {  	p1 =	seq.s32 s10, $0x1;
	s10 =	sld [smem:$0x3FBA];
	_ =	sdelay $0x3  }
0x37: {  	[smem:$0x3FBA] =	sst s10  }
0x38: {  	s10 =	sld [smem:$0x3FBB]  }
0x39: {  	_ = 	snop;
	(pc) =	sbr.ind lr, $3  }
0x3a: {  	_ = 	snop  }
0x3b: {  	_ = 	snop  }
0x3c: {  	p2 =	seq.s32 s10, $0x1;
	s10 =	sld [smem:$0x3FBA]  }
0x3d: {  	_ =	shalt  }
0x3e: {  	_ =	shalt  }
0x3f: {  	_ =	shalt  }
0x40: {  	_ =	shalt  }
0x41: {  	_ =	shalt  }
0x42: {  	_ =	shalt  }
0x43: {  	_ =	shalt  }
0x44: {  	_ =	shalt  }
0x45: {  	_ =	shalt  }
0x46: {  	_ =	shalt  }
0x47: {  	_ =	shalt  }
0x48: {  	_ =	shalt  }
0x49: {  	_ =	shalt  }
0x4a: {  	_ =	shalt  }
0x4b: {  	_ =	shalt  }
0x4c: {  	_ =	shalt  }
0x4d: {  	_ =	shalt  }
0x4e: {  	_ =	shalt  }
0x4f: {  	_ =	shalt  }
0x50: {  	_ =	shalt  }
0x51: {  	_ =	shalt  }
0x52: {  	_ =	shalt  }
0x53: {  	_ =	shalt  }
0x54: {  	_ =	shalt  }
0x55: {  	_ =	shalt  }
0x56: {  	_ =	shalt  }
0x57: {  	_ =	shalt  }
0x58: {  	_ =	shalt  }
0x59: {  	_ =	shalt  }
0x5a: {  	_ =	shalt  }
0x5b: {  	_ =	shalt  }
0x5c: {  	_ =	shalt  }
0x5d: {  	_ =	shalt  }
0x5e: {  	_ =	shalt  }
0x5f: {  	_ =	shalt  }
0x60: {  	_ =	shalt  }
0x61: {  	_ =	shalt  }
0x62: {  	_ =	shalt  }
0x63: {  	_ =	shalt  }
0x64: {  	_ =	shalt  }
0x65: {  	_ =	shalt  }
0x66: {  	_ =	shalt  }
0x67: {  	_ =	shalt  }
0x68: {  	_ =	shalt  }
0x69: {  	_ =	shalt  }
0x6a: {  	_ =	shalt  }
0x6b: {  	_ =	shalt  }
0x6c: {  	_ =	shalt  }
0x6d: {  	_ =	shalt  }
0x6e: {  	_ =	shalt  }
0x6f: {  	_ =	shalt  }
0x70: {  	_ =	shalt  }
0x71: {  	_ =	shalt  }
0x72: {  	_ =	shalt  }
0x73: {  	_ =	shalt  }
0x74: {  	_ =	shalt  }
0x75: {  	_ =	shalt  }
0x76: {  	_ =	shalt  }
0x77: {  	_ =	shalt  }
0x78: {  	_ =	shalt  }
0x79: {  	_ =	shalt  }
0x7a: {  	_ =	shalt  }
0x7b: {  	_ =	shalt  }
0x7c: {  	_ =	shalt  }
0x7d: {  	_ =	shalt  }
0x7e: {  	_ =	shalt  }
0x7f: {  	_ =	shalt  }
0x80: {  	_ =	shalt  }
0x81: {  	_ =	shalt  }
0x82: {  	_ =	shalt  }
0x83: {  	_ =	shalt  }
0x84: {  	_ =	shalt  }
0x85: {  	_ =	shalt  }
0x86: {  	_ =	shalt  }
0x87: {  	_ =	shalt  }
.Lfunc_end0:
.L_simem_size_0:
called_computation_lowered:
.L_overlay_start_0:
0x88: {  	s2 =	sld [smem:$0x3FD9]  }
0x89: {  	s3 =	sld [smem:$0x3FFE];
	_ =	sdelay $0x1  }
0x8a: {  	s1 =	srdreg.scid  }
0x8b: {  	s0 =	sand.u32 $0x1, s1  }
0x8c: {  	s15 =	sshll.u32 s0, $0xA;
	s2 =	sadd.s32 s3, s2  }
0x8d: {  	s2 =	sadd.s32 s2, s15  }
0x8e: {  	[smem:$0x3FC6] =	sst s2  }
0x8f: {  	_ = 	snop  }
0x90: {  	s2 =	sld [smem:$0x3FD0];
	_ =	sdelay $0x1  }
0x91: {  	s16 =	sld [smem:$0x3FC9]  }
0x92: {  	s5 =	simm.s32 $0xA;
	s6 =	simm.s32 $0x10;
	s4 =	sld [smem:$0x3FC8]  }
0x93: {  	[smem:s6], [sflag:s5] =	dma.local [hbm:s2], $0x1  }
0x94: {  	_ =	swait.eq [sflag:s5], $0x1  }
0x95: {  	[sflag:s5] =	ssyncset.done $0x0  }
0x96: {  	[sflag:s5] =	ssyncadd.s32 $0xFFFFFFFF  }
0x97: {  	s17 =	sld [smem:$0x11];
	(tm) =	ssettm $0x1  }
0x98: {  	s18 =	sld [smem:$0x3FFB];
	_ =	sdelay $0x3  }
0x99: {  	_ =	strace s18  }
0x9a: {  	s5 =	sld [smem:$0x3FFC];
	_ =	sdelay $0x3  }
0x9b: {  	_ =	strace s5  }
0x9c: {  	s5 =	sld [smem:$0x3FFD];
	_ =	sdelay $0x3  }
0x9d: {  	_ =	strace s5  }
0x9e: {  	_ =	strace $0x8FFFFFFF  }
0x9f: {  	s19 =	sld [smem:$0x3FDB];
	_ =	sdelay $0x1  }
0xa0: {  	s20 =	simm.s32 $_scs_section_size  }
0xa1: {  	s7 =	simm.s32 $_size__tile_overlayer_lowered;
	s8 =	simm.s32 $_tile_overlayer_lowered  }
0xa2: {  	s23 =	simm.s32 $0x1BFF;
	s22 =	sshll.u32 s8, $0x1;
	s5 =	sadd.s32 s20, s19  }
0xa3: {  	s9 =	simm.s32 $0x0;
	s21 =	sshll.u32 s7, $0x1;
	s7 =	sadd.s32 s22, s5  }
0xa4: {  	[timem:s9], [sflag:s23] =	dma.local [hbm:s7], s21  }
0xa5: {  	_ =	swait.ge [sflag:s23], s21  }
0xa6: {  	s6 =	ssub.s32 $0x0, s21;
	[sflag:s23] =	ssyncset.done $0x0  }
0xa7: {  	[sflag:s23] =	ssyncadd.s32 s6;
	_ =	sdelay $0x1  }
0xa8: {  	s24 =	simm.s32 $0x1B8B  }
0xa9: {  	_ =	swait.ge [sflag:s24], $0x1  }
0xaa: {  	[sflag:s24] =	ssyncset.done $0x0  }
0xab: {  	s25 =	simm.s32 $0x1B8E;
	[sflag:s24] =	ssyncadd.s32 $0xFFFFFFFF  }
0xac: {  	s26 =	simm.s32 $execute0_lowered;
	[smem:$0x3FD2] =	sst s25  }
0xad: {  	s6 =	sshll.u32 s26, $0x1;
	_ =	strace $0x80000046;
	[dreg:$0x1] =	wrdreg $0xFFFFFFFF  }
0xae: {  	s28 =	simm.s32 $_size_execute0_lowered;
	s5 =	sadd.s32 s5, s6;
	[dreg:$0x0] =	wrdreg $0x0  }
0xaf: {  	s6 =	sshll.u32 s28, $0x1;
	[dreg:$0x2] =	wrdreg s5  }
0xb0: {  	[dreg:$0x3] =	wrdreg s6  }
0xb1: {  	[dreg:$0x4] =	wrdreg $0xC0  }
0xb2: {  	_ =	task [dreg:s9], $0x5FFFF  }
0xb3: {  	[dreg:$0x1] =	wrdreg $0xFFFFFFFF  }
0xb4: {  	[dreg:$0x0] =	wrdreg $0x60  }
0xb5: {  	[dreg:$0x2] =	wrdreg s16  }
0xb6: {  	[dreg:$0x3] =	wrdreg s4  }
0xb7: {  	[dreg:$0x4] =	wrdreg s17  }
0xb8: {  	[dreg:$0x5] =	wrdreg $0x9  }
0xb9: {  	_ =	task.clear_ibuf [dreg:s9], $0x6FFFF;
	_ =	strace $0x90000046  }
0xba: {  	s29 =	simm.s32 $0x9;
	_ =	strace $0x80000048  }
0xbb: {  	_ =	swait.ge [sflag:s29], $0x1  }
0xbc: {  	[sflag:s29] =	ssyncadd.s32 $0xFFFFFFFF  }
0xbd: {  	_ =	strace $0x90000048  }
0xbe: {  	_ =	sfence  }
0xbf: {  	s30 =	sld [smem:$0x0];
	_ =	sdelay $0x2  }
0xc0: {  	s31 =	sshll.u32 s1, $0xD;
	s1 =	sshrl.u32 s1, $0x2  }
0xc1: {  	s3 =	sand.u32 $0x4000, s31;
	s1 =	sadd.s32 s1, s30  }
0xc2: {  	s0 =	sor.u32 s3, s0;
	s1 =	sshll.u32 s1, $0x11  }
0xc3: {  	s0 =	sor.u32 s1, s0  }
0xc4: {  	s0 =	sadd.s32 $0x8F2B, s0  }
0xc5: {  	[sflag:s0] =	ssyncadd.remote.s32 $0x1  }
0xc6: {  	_ =	sfence.sel $0xFFFF  }
0xc7: {  	[dreg:$0x0] =	wrdreg $0xFFFFFFFF;
	(pc) =	sbr.abs _section_cstart, $3  }
0xc8: {  	[dreg:$0x1] =	wrdreg $0xFFFFFFFF  }
0xc9: {  	_ =	task.clear_ibuf [dreg:s9], $0x2FFFF;
	_ =	strace $0x9FFFFFFF  }
0xca: {  	(tm) =	ssettm $0x7FFFFFFF  }
0xcb: {  	_ =	shalt  }
tec
execute0_lowered:
.L_overlay_start_1:
0x0: {  	(tag) =	ssettag $0x1  }
0x1: {  	s4 =	srdreg.scid  }
0x2: {  	s4 =	sand.u32 $0x1, s4  }
0x3: {  	s6 =	ssub.s32 $0x2, s4  }
0x4: {  	s1 =	stileid.u32;
	s28 =	sshrl.u32 s6, $0x1  }
0x5: {  	s7 =	sshll.u32 s1, $0x1;
	s29 =	ssub.s32 s6, s28  }
0x6: {  	s3 =	rddreg [dreg:$0x0];
	s9 =	sor.u32 s4, s7;
	s4 =	smax.u32 s29, $0x1  }
0x7: {  	s2 =	rddreg [dreg:$0x1];
	s12 =	sadd.s32 $0xFFFFFFFF, s4  }
0x8: {  	s8 =	rddreg [dreg:$0x2];
	p2 =	sne.s32 s12, $0x0  }
.Ltmp0:
0x9: {  	s0 =	rddreg [dreg:$0x3];
	s5 =	simm.s32 $0x0;
	(pc) =	sbr.rel @!p2 .LBB2_3-.Ltmp0, $4  }
0xa: {  	p1 =	por $0x0, $0x0;
	[smem:$0x7FF] =	sst s5;
	s31 =	sshll.u32 s1, $0x6  }
0xb: {  	_ =	strace $0x80000047;
	s7 =	sor.u32 $0x1C01, s31;
	s30 =	sshll.u32 s9, $0x12  }
0xc: {  	p0 =	sne.s32 s9, $0x4;
	s5 =	sadd.s32 s2, s30;
	s6 =	sadd.s32 s8, s30  }
0xd: {  	s4 =	sadd.s32 $0x100010, s2;
	s2 =	sadd.s32 $0x100010, s8;
	s8 =	simm.s32 $0x1  }
0xe: {  	[hbm:s6], [sflag:s7] =	dma.local [hbm:s5], $0x40000  }
0xf: {  	_ =	swait.ge [sflag:s8], $0x40000  }
0x10: {  	[sflag:s8] =	ssyncset.done $0x0  }
0x11: {  	s10 =	simm.s32 @!p0 $0x0;
	s9 =	simm.s32 @!p0 $0x1;
	[sflag:s8] =	ssyncadd.s32 $0xFFFC0000  }
0x12: {  	[tilespmem:s10], [sflag:$0x1] =	stream.linear.gather @!p0 [hbm4b:s3+s10], $0x80, $0x38;
	[tilespmem:$0x100] =	vst v63  }
0x13: {  	_ =	swait.ge @!p0 [sflag:s9], $0x80  }
0x14: {  	s12 =	sadd.s32 $0xFFFFFFFF, s12;
	[sflag:s9] =	ssyncset.done @!p0 $0x0  }
0x15: {  	s11 =	simm.s32 @!p0 $0x80;
	p2 =	sne.s32 s12, $0x0;
	[sflag:s9] =	ssyncadd.s32 @!p0 $0xFFFFFF80  }
0x16: {  	[tilespmem:s11], [sflag:$0x1] =	stream.linear.gather @!p0 [hbm4b:s4+s10], $0x80, $0x38;
	[tilespmem:$0x100] =	vst v63  }
.Ltmp1:
0x17: {  	_ = 	snop;
	(pc) =	sbr.rel @!p2 .LBB2_3-.Ltmp1, $4  }
0x18: {  	_ =	swait.ge @!p0 [sflag:s9], $0x80  }
0x19: {  	[sflag:s9] =	ssyncset.done @!p0 $0x0  }
0x1a: {  	[sflag:s9] =	ssyncadd.s32 @!p0 $0xFFFFFF80  }
0x1b: {  	p1 =	por $0x1, $0x1;
	v0 =	vld @!p0 [tilespmem:$0x80]  }
.LBB2_2:
0x1c: {  	s12 =	sadd.s32 $0xFFFFFFFF, s12;
	v1 =	vld @!p0 [tilespmem:$0xC0]  }
0x1d: {  	p2 =	sne.s32 s12, $0x0;
	v2 =	vld @!p0 [tilespmem:$0xF0]  }
0x1e: {  	v3 =	vld @!p0 [tilespmem:$0xD0]  }
0x1f: {  	v4 =	vld @!p0 [tilespmem:$0x50]  }
0x20: {  	v5 =	vld @!p0 [tilespmem:$0x40]  }
0x21: {  	v6 =	vld @!p0 [tilespmem:$0x10]  }
0x22: {  	v7 =	vld @!p0 [tilespmem:$0x0]  }
0x23: {  	v8 =	vld @!p0 [tilespmem:$0x20]  }
0x24: {  	v9 =	vld @!p0 [tilespmem:$0x70]  }
0x25: {  	v4 =	vadd.f32 @!p0 v4, v4;
	v10 =	vld @!p0 [tilespmem:$0x30];
	v5 =	vadd.f32 @!p0 v5, v5  }
0x26: {  	v11 =	vld @!p0 [tilespmem:$0x90]  }
0x27: {  	v3 =	vadd.f32 @!p0 v4, v3;
	v4 =	vld @!p0 [tilespmem:$0x60]  }
0x28: {  	v7 =	vadd.f32 @!p0 v7, v7;
	v1 =	vadd.f32 @!p0 v5, v1;
	v12 =	vld @!p0 [tilespmem:$0xB0]  }
0x29: {  	v5 =	vadd.f32 @!p0 v6, v6;
	v6 =	vld @!p0 [tilespmem:$0xE0]  }
0x2a: {  	v0 =	vadd.f32 @!p0 v7, v0;
	v7 =	vld @!p0 [tilespmem:$0xA0];
	[tilespmem:$0xC0] =	vst @!p0 v1;
	v1 =	vadd.f32 @!p0 v9, v9  }
0x2b: {  	v9 =	vadd.f32 @!p0 v10, v10;
	v5 =	vadd.f32 @!p0 v5, v11;
	[tilespmem:$0xD0] =	vst @!p0 v3  }
0x2c: {  	[tilespmem:$0x80] =	vst @!p0 v0;
	v0 =	vadd.f32 @!p0 v4, v4;
	v1 =	vadd.f32 @!p0 v1, v2  }
0x2d: {  	v2 =	vadd.f32 @!p0 v8, v8;
	[tilespmem:$0x90] =	vst @!p0 v5;
	v3 =	vadd.f32 @!p0 v9, v12  }
0x2e: {  	v0 =	vadd.f32 @!p0 v0, v6;
	[tilespmem:$0xF0] =	vst @!p0 v1  }
0x2f: {  	v1 =	vadd.f32 @!p0 v2, v7;
	[tilespmem:$0xB0] =	vst @!p0 v3  }
0x30: {  	[tilespmem:$0xE0] =	vst @!p0 v0  }
0x31: {  	[tilespmem:$0xA0] =	vst @!p0 v1  }
0x32: {  	[hbm4b:s2+s10] =	stream.linear.scatter @!p0 [tilespmem:s11], [sflag:$0x1], $0x80, $0x38;
	[tilespmem:$0x100] =	vst v63  }
0x33: {  	_ =	swait.ge @!p0 [sflag:s9], $0x80  }
0x34: {  	[sflag:s9] =	ssyncset.done @!p0 $0x0  }
0x35: {  	[sflag:s9] =	ssyncadd.s32 @!p0 $0xFFFFFF80  }
0x36: {  	[hbm:s6], [sflag:s7] =	dma.local [hbm:s5], $0x40000  }
0x37: {  	_ =	swait.ge [sflag:s8], $0x40000  }
0x38: {  	[sflag:s8] =	ssyncset.done $0x0  }
0x39: {  	[sflag:s8] =	ssyncadd.s32 $0xFFFC0000  }
0x3a: {  	[tilespmem:s10], [sflag:$0x1] =	stream.linear.gather @!p0 [hbm4b:s3+s10], $0x80, $0x38;
	[tilespmem:$0x100] =	vst v63  }
0x3b: {  	_ =	swait.ge @!p0 [sflag:s9], $0x80  }
0x3c: {  	[sflag:s9] =	ssyncset.done @!p0 $0x0  }
0x3d: {  	[sflag:s9] =	ssyncadd.s32 @!p0 $0xFFFFFF80  }
0x3e: {  	[tilespmem:s11], [sflag:$0x1] =	stream.linear.gather @!p0 [hbm4b:s4+s10], $0x80, $0x38;
	[tilespmem:$0x100] =	vst v63  }
.Ltmp2:
0x3f: {  	_ = 	snop;
	(pc) =	sbr.rel @p2 .LBB2_2-.Ltmp2, $4  }
0x40: {  	_ =	swait.ge @!p0 [sflag:s9], $0x80  }
0x41: {  	[sflag:s9] =	ssyncset.done @!p0 $0x0  }
0x42: {  	[sflag:s9] =	ssyncadd.s32 @!p0 $0xFFFFFF80  }
0x43: {  	v0 =	vld @!p0 [tilespmem:$0x80]  }
.LBB2_3:
0x44: {  	p1 =	por p0, !p1  }
0x45: {  	v1 =	vld @!p1 [tilespmem:$0xC0]  }
0x46: {  	v2 =	vld @!p1 [tilespmem:$0xF0]  }
0x47: {  	v3 =	vld @!p1 [tilespmem:$0xD0]  }
0x48: {  	v4 =	vld @!p1 [tilespmem:$0x50]  }
0x49: {  	v5 =	vld @!p1 [tilespmem:$0x40]  }
0x4a: {  	v6 =	vld @!p1 [tilespmem:$0x10]  }
0x4b: {  	v7 =	vld @!p1 [tilespmem:$0x0]  }
0x4c: {  	v8 =	vld @!p1 [tilespmem:$0x20]  }
0x4d: {  	v9 =	vld @!p1 [tilespmem:$0x70]  }
0x4e: {  	v10 =	vld @!p1 [tilespmem:$0x30]  }
0x4f: {  	v11 =	vld @!p1 [tilespmem:$0x90];
	v5 =	vadd.f32 @!p1 v5, v5  }
0x50: {  	v12 =	vld @!p1 [tilespmem:$0x60];
	v4 =	vadd.f32 @!p1 v4, v4  }
0x51: {  	v7 =	vadd.f32 @!p1 v7, v7;
	v1 =	vadd.f32 @!p1 v5, v1;
	v5 =	vld @!p1 [tilespmem:$0xB0]  }
0x52: {  	v3 =	vadd.f32 @!p1 v4, v3;
	v4 =	vadd.f32 @!p1 v6, v6;
	v6 =	vld @!p1 [tilespmem:$0xE0]  }
0x53: {  	v0 =	vadd.f32 @!p1 v7, v0;
	v7 =	vld @!p1 [tilespmem:$0xA0];
	[tilespmem:$0xC0] =	vst @!p1 v1;
	v1 =	vadd.f32 @!p1 v9, v9  }
0x54: {  	v4 =	vadd.f32 @!p1 v4, v11;
	v9 =	vadd.f32 @!p1 v10, v10;
	[tilespmem:$0xD0] =	vst @!p1 v3  }
0x55: {  	[tilespmem:$0x80] =	vst @!p1 v0;
	v0 =	vadd.f32 @!p1 v12, v12;
	v1 =	vadd.f32 @!p1 v1, v2  }
0x56: {  	[tilespmem:$0x90] =	vst @!p1 v4;
	v2 =	vadd.f32 @!p1 v8, v8;
	v3 =	vadd.f32 @!p1 v9, v5  }
0x57: {  	v0 =	vadd.f32 @!p1 v0, v6;
	[tilespmem:$0xF0] =	vst @!p1 v1  }
0x58: {  	v1 =	vadd.f32 @!p1 v2, v7;
	[tilespmem:$0xB0] =	vst @!p1 v3  }
0x59: {  	[tilespmem:$0xE0] =	vst @!p1 v0  }
0x5a: {  	[tilespmem:$0xA0] =	vst @!p1 v1  }
0x5b: {  	[hbm4b:s2+s10] =	stream.linear.scatter @!p1 [tilespmem:s11], [sflag:$0x1], $0x80, $0x38;
	[tilespmem:$0x100] =	vst v63  }
0x5c: {  	_ =	swait.ge @!p1 [sflag:s9], $0x80  }
0x5d: {  	[sflag:s9] =	ssyncset.done @!p1 $0x0  }
0x5e: {  	[sflag:s9] =	ssyncadd.s32 @!p1 $0xFFFFFF80  }
0x5f: {  	[hbm:s6], [sflag:s7] =	dma.local [hbm:s5], $0x40000  }
0x60: {  	_ =	swait.ge [sflag:s8], $0x40000  }
0x61: {  	[sflag:s8] =	ssyncset.done $0x0  }
0x62: {  	s5 =	simm.s32 @!p0 $0x0;
	s6 =	simm.s32 @!p0 $0x1;
	[sflag:s8] =	ssyncadd.s32 $0xFFFC0000  }
0x63: {  	[tilespmem:s5], [sflag:$0x1] =	stream.linear.gather @!p0 [hbm4b:s3+s5], $0x80, $0x38;
	[tilespmem:$0x100] =	vst v63  }
0x64: {  	_ =	swait.ge @!p0 [sflag:s6], $0x80  }
0x65: {  	[sflag:s6] =	ssyncset.done @!p0 $0x0  }
0x66: {  	s3 =	simm.s32 @!p0 $0x80;
	[sflag:s6] =	ssyncadd.s32 @!p0 $0xFFFFFF80  }
0x67: {  	[tilespmem:s3], [sflag:$0x1] =	stream.linear.gather @!p0 [hbm4b:s4+s5], $0x80, $0x38;
	[tilespmem:$0x100] =	vst v63  }
0x68: {  	_ =	swait.ge @!p0 [sflag:s6], $0x80  }
0x69: {  	[sflag:s6] =	ssyncset.done @!p0 $0x0  }
0x6a: {  	[sflag:s6] =	ssyncadd.s32 @!p0 $0xFFFFFF80  }
0x6b: {  	v0 =	vld @!p0 [tilespmem:$0x80]  }
0x6c: {  	v1 =	vld @!p0 [tilespmem:$0xC0]  }
0x6d: {  	v2 =	vld @!p0 [tilespmem:$0xF0]  }
0x6e: {  	v3 =	vld @!p0 [tilespmem:$0xD0]  }
0x6f: {  	v4 =	vld @!p0 [tilespmem:$0x50]  }
0x70: {  	v5 =	vld @!p0 [tilespmem:$0x40]  }
0x71: {  	v6 =	vld @!p0 [tilespmem:$0x10]  }
0x72: {  	v7 =	vld @!p0 [tilespmem:$0x0]  }
0x73: {  	v8 =	vld @!p0 [tilespmem:$0x20]  }
0x74: {  	v9 =	vld @!p0 [tilespmem:$0x70]  }
0x75: {  	v10 =	vld @!p0 [tilespmem:$0x30]  }
0x76: {  	v11 =	vld @!p0 [tilespmem:$0x90];
	v5 =	vadd.f32 @!p0 v5, v5  }
0x77: {  	v12 =	vld @!p0 [tilespmem:$0x60];
	v4 =	vadd.f32 @!p0 v4, v4  }
0x78: {  	v7 =	vadd.f32 @!p0 v7, v7;
	v1 =	vadd.f32 @!p0 v5, v1;
	v5 =	vld @!p0 [tilespmem:$0xB0]  }
0x79: {  	v3 =	vadd.f32 @!p0 v4, v3;
	v4 =	vadd.f32 @!p0 v6, v6;
	v6 =	vld @!p0 [tilespmem:$0xE0]  }
0x7a: {  	v0 =	vadd.f32 @!p0 v7, v0;
	v7 =	vld @!p0 [tilespmem:$0xA0];
	[tilespmem:$0xC0] =	vst @!p0 v1;
	v1 =	vadd.f32 @!p0 v9, v9  }
0x7b: {  	v4 =	vadd.f32 @!p0 v4, v11;
	v9 =	vadd.f32 @!p0 v10, v10;
	[tilespmem:$0xD0] =	vst @!p0 v3  }
0x7c: {  	[tilespmem:$0x80] =	vst @!p0 v0;
	v0 =	vadd.f32 @!p0 v12, v12;
	v1 =	vadd.f32 @!p0 v1, v2  }
0x7d: {  	[tilespmem:$0x90] =	vst @!p0 v4;
	v2 =	vadd.f32 @!p0 v8, v8;
	v3 =	vadd.f32 @!p0 v9, v5  }
0x7e: {  	v0 =	vadd.f32 @!p0 v0, v6;
	[tilespmem:$0xF0] =	vst @!p0 v1  }
0x7f: {  	v1 =	vadd.f32 @!p0 v2, v7;
	[tilespmem:$0xB0] =	vst @!p0 v3  }
0x80: {  	[tilespmem:$0xE0] =	vst @!p0 v0  }
0x81: {  	[tilespmem:$0xA0] =	vst @!p0 v1  }
0x82: {  	[hbm4b:s2+s5] =	stream.linear.scatter @!p0 [tilespmem:s3], [sflag:$0x1], $0x80, $0x38;
	[tilespmem:$0x100] =	vst v63  }
0x83: {  	_ =	swait.ge @!p0 [sflag:s6], $0x80  }
0x84: {  	[sflag:s6] =	ssyncset.done @!p0 $0x0  }
0x85: {  	[sflag:s6] =	ssyncadd.s32 @!p0 $0xFFFFFF80  }
0x86: {  	_ =	sfence.sel $0x180000  }
0x87: {  	[bflag:$0x0] =	sbarrier.arrive $0xFFFF  }
0x88: {  	p0 =	sne.s32 s1, $0x0;
	_ =	strace $0x90000047  }
0x89: {  	s0 =	sadd.s32 @!p0 $0x100000, s0;
	[bflag:$0x2] =	sbarrier.arrive $0xFFFF  }
0x8a: {  	[sflag:s0] =	ssyncadd.tile.s32 @!p0 $0x1;
	_ =	shalt  }
.Lfunc_end2:
_tile_overlayer_lowered:
.L_overlay_start_2:
0x8b: {  	(tag) =	ssettag $0x2  }
0x8c: {  	s0 =	rddreg [dreg:$0x0];
	s2 =	stileid.u32  }
0x8d: {  	s1 =	rddreg [dreg:$0x1];
	p0 =	sne.s32 s2, $0x0  }
0x8e: {  	s3 =	rddreg [dreg:$0x2];
	[bflag:$0x3] =	sbarrier.arrive $0xFFFF;
	s2 =	simm.s32 @!p0 $0x1C01  }
0x8f: {  	[timem:s3], [sflag:s2] =	dma.local @!p0 [hbm:s0], s1  }
0x90: {  	s0 =	simm.s32 @!p0 $0x1  }
0x91: {  	_ =	swait.ge @!p0 [sflag:s0], s1  }
0x92: {  	s1 =	ssub.s32 @!p0 $0x0, s1;
	[sflag:s0] =	ssyncset.done @!p0 $0x0  }
0x93: {  	[sflag:s0] =	ssyncadd.s32 @!p0 s1  }
0x94: {  	[bflag:$0x3] =	sbarrier.arrive $0xFFFF  }
0x95: {  	_ =	shalt  }

</sc_bundles>
